<compile_context>
chip_gen: v7x
topology: tpu7x:2x2x1
jax: 0.10.2.dev20260603
libtpu: 0.0.44.dev20260713+nightly
codegen_flags: <defaults>
</compile_context>

<pallas_src>
import functools

import jax
import jax.numpy as jnp
from jax import lax
from jax.experimental import pallas as pl
from jax.experimental.pallas import tpu as pltpu
from jax.experimental.pallas import tpu_sc as plsc

N = 8192
D = 128
K = 32
TEMP = 0.07
EPS = 1e-7

ROWS_A = 256
PTS_C = 256
NB = K - 1


def _topk_body(pr_ref, sr_ref, pc_ref, sc_ref, idx_ref):
    xr = pr_ref[:, 0:1].astype(jnp.float32)
    yr = pr_ref[:, 1:2].astype(jnp.float32)
    zr = pr_ref[:, 2:3].astype(jnp.float32)
    sr = sr_ref[:, 0:1]
    xc = pc_ref[0:1, :].astype(jnp.float32)
    yc = pc_ref[1:2, :].astype(jnp.float32)
    zc = pc_ref[2:3, :].astype(jnp.float32)
    sc = sc_ref[0:1, :]
    dot = xr * xc + yr * yc + zr * zc
    d2 = (sr + sc) - 2.0 * dot
    ii = lax.broadcasted_iota(jnp.int32, (ROWS_A, N), 1)
    kk = lax.broadcasted_iota(jnp.int32, (ROWS_A, K), 1)
    big = jnp.int32(2 ** 30)
    inf = jnp.float32(jnp.inf)

    def step(k, carry):
        d2, acc = carry
        j = jnp.argmin(d2, axis=1).astype(jnp.int32)[:, None]
        acc = jnp.where(kk == k, j, acc)
        d2 = jnp.where(ii == j, inf, d2)
        return (d2, acc)

    _, acc = lax.fori_loop(
        0, K, step, (d2, jnp.zeros((ROWS_A, K), jnp.int32)))
    idx_ref[:, :] = acc


def _topk(pr, sr, pc, sc):
    return pl.pallas_call(
        _topk_body,
        grid=(N // ROWS_A,),
        in_specs=[
            pl.BlockSpec((ROWS_A, 4), lambda i: (i, 0)),
            pl.BlockSpec((ROWS_A, 1), lambda i: (i, 0)),
            pl.BlockSpec((16, N), lambda i: (0, 0)),
            pl.BlockSpec((8, N), lambda i: (0, 0)),
        ],
        out_specs=pl.BlockSpec((ROWS_A, K), lambda i: (i, 0)),
        out_shape=jax.ShapeDtypeStruct((N, K), jnp.int32),
    )(pr, sr, pc, sc)


_SC_CHUNK = 128


def _sc_gather(idx_flat, table, target):
    info = plsc.get_sparse_core_info()
    nc, ns = info.num_cores, info.num_subcores
    nw = nc * ns
    total = N * NB
    per_w = total // nw
    n_chunks = per_w // _SC_CHUNK
    mesh = plsc.VectorSubcoreMesh(core_axis_name="c", subcore_axis_name="s")

    @functools.partial(
        pl.kernel,
        mesh=mesh,
        out_type=[
            jax.ShapeDtypeStruct((total, D), jnp.float32),
            jax.ShapeDtypeStruct((total,), jnp.int32),
        ],
        scratch_types=[
            pltpu.VMEM((_SC_CHUNK,), jnp.int32),
            pltpu.VMEM((_SC_CHUNK, D), jnp.float32),
            pltpu.VMEM((_SC_CHUNK,), jnp.int32),
            pltpu.SemaphoreType.DMA,
            pltpu.SemaphoreType.DMA,
        ],
    )
    def gather_k(idx_hbm, table_hbm, tgt_hbm, out_hbm, ntg_hbm,
                 idx_v, rows_v, ntg_v, sem, sem2):
        wid = lax.axis_index("s") * nc + lax.axis_index("c")
        base = wid * per_w

        def body(c, carry):
            off = base + c * _SC_CHUNK
            pltpu.sync_copy(idx_hbm.at[pl.ds(off, _SC_CHUNK)], idx_v)
            pltpu.async_copy(table_hbm.at[idx_v], rows_v, sem)
            pltpu.async_copy(tgt_hbm.at[idx_v], ntg_v, sem2).wait()
            pltpu.sync_copy(ntg_v, ntg_hbm.at[pl.ds(off, _SC_CHUNK)])
            pltpu.make_async_copy(table_hbm.at[idx_v], rows_v, sem).wait()
            pltpu.sync_copy(rows_v, out_hbm.at[pl.ds(off, _SC_CHUNK)])
            return carry

        lax.fori_loop(0, n_chunks, body, 0)

    return gather_k(idx_flat, table, target)


def _combine_body(feat_ref, g_ref, ntg_ref, tgt_ref, ls_ref, cn_ref):
    i = pl.program_id(0)
    feat = feat_ref[:, :]
    g = g_ref[:, :, :]
    diff = feat[:, None, :] - g
    s = jnp.sum(diff * diff, axis=-1)
    pm = (ntg_ref[:, :] == tgt_ref[:, :]).astype(jnp.float32)
    cnt = jnp.sum(pm, axis=1, keepdims=True)
    pointmask = jnp.logical_and(cnt > 0.0, cnt < float(NB)).astype(jnp.float32)

    dist = jnp.sqrt(s) + EPS
    d = -dist
    d = d - jnp.max(d, axis=1, keepdims=True)
    e = jnp.exp(d / TEMP)
    pos = jnp.sum(e * pm, axis=1, keepdims=True)
    neg = jnp.sum(e, axis=1, keepdims=True)
    lp = -jnp.log(pos / neg + EPS)

    ls = jnp.sum(lp * pointmask, axis=(0, 1), keepdims=True)
    cn = jnp.sum(pointmask, axis=(0, 1), keepdims=True)

    @pl.when(i == 0)
    def _():
        ls_ref[:, :] = jnp.zeros((1, 1), jnp.float32)
        cn_ref[:, :] = jnp.zeros((1, 1), jnp.float32)

    ls_ref[:, :] += ls
    cn_ref[:, :] += cn


def _combine(features, g3, ntg, tgt):
    return pl.pallas_call(
        _combine_body,
        grid=(N // PTS_C,),
        in_specs=[
            pl.BlockSpec((PTS_C, D), lambda i: (i, 0)),
            pl.BlockSpec((PTS_C, NB, D), lambda i: (i, 0, 0)),
            pl.BlockSpec((PTS_C, NB), lambda i: (i, 0)),
            pl.BlockSpec((PTS_C, 1), lambda i: (i, 0)),
        ],
        out_specs=[
            pl.BlockSpec((1, 1), lambda i: (0, 0)),
            pl.BlockSpec((1, 1), lambda i: (0, 0)),
        ],
        out_shape=[
            jax.ShapeDtypeStruct((1, 1), jnp.float32),
            jax.ShapeDtypeStruct((1, 1), jnp.float32),
        ],
    )(features, g3, ntg, tgt)


def kernel(p, features, target):
    sq = jnp.sum(p * p, axis=1)
    pb = p.astype(jnp.bfloat16)
    pr = jnp.pad(pb, ((0, 0), (0, 1)))
    pc = jnp.zeros((16, N), jnp.bfloat16).at[0:3, :].set(pb.T)
    sr = sq[:, None]
    sc = jnp.zeros((8, N), jnp.float32).at[0, :].set(sq)
    idx32 = _topk(pr, sr, pc, sc)
    nidx = idx32[:, 1:].reshape(-1)

    gathered, ntg = _sc_gather(nidx, features, target)
    g3 = gathered.reshape(N, NB, D)
    ntg2 = ntg.reshape(N, NB)

    ls, cn = _combine(features, g3, ntg2, target[:, None])
    return (ls[0, 0] / jnp.maximum(cn[0, 0], 1.0))

# --- scband reference (transcript-rebuilt; emitter-appended) ---
"""Pipeline reference for scband-contrast-head-32298154066765 (READ-ONLY COPY).

The authoritative reference and input builder live on the scoring server;
editing this copy changes nothing except your own understanding.
"""

import jax, jax.numpy as jnp
import numpy as np

N = 8192
D = 128
C = 20
K = 32  # nsample (includes self; k-1=31 neighbors used)
TEMP = 0.07
EPS = 1e-7
WEIGHT = 1.0  # float(head_cfg.weight[1:]) = float('1')


def setup_inputs(seed: int = 0) -> dict:
    key = jax.random.key(seed)
    k1, k2, k3 = jax.random.split(key, 3)
    p = jax.random.uniform(k1, (N, 3), dtype=jnp.float32) * 10.0
    features = jax.random.normal(k2, (N, D), dtype=jnp.float32)
    target = jax.random.randint(k3, (N,), 0, C, dtype=jnp.int32)
    return {"p": p, "features": features, "target": target}


def reference(p, features, target):
    # knnquery: brute-force kNN of points against themselves (cKDTree equivalent)
    sq = jnp.sum(p * p, axis=1)
    d2 = sq[:, None] + sq[None, :] - 2.0 * (p @ p.T)
    _, idx = jax.lax.top_k(-d2, K)            # [N, K], nearest first (self at 0)
    neighbor_idx = idx[:, 1:]                  # drop self -> [N, K-1]

    # get_subscene_label with stride=1 -> one-hot labels
    labels = jax.nn.one_hot(target, C, dtype=jnp.float32)   # [N, C]

    neighbor_label = labels[neighbor_idx]      # [N, K-1, C]
    neighbor_feature = features[neighbor_idx]  # [N, K-1, D]

    # posmask_cnt
    lab = jnp.argmax(labels, axis=-1)[:, None]         # [N, 1]
    nlab = jnp.argmax(neighbor_label, axis=-1)         # [N, K-1]
    posmask = (lab == nlab)                            # [N, K-1] bool

    cnt = jnp.sum(posmask, axis=1)
    point_mask = (cnt > 0) & (cnt < (K - 1))           # [N] bool

    # dist_l2
    diff = features[:, None, :] - neighbor_feature     # [N, K-1, D]
    dist = jnp.sqrt(jnp.sum(diff * diff, axis=-1)) + EPS

    # contrast_softnn
    d = -dist
    d = d - jnp.max(d, axis=1, keepdims=True)
    d = d / TEMP
    e = jnp.exp(d)
    pos = jnp.sum(e * posmask.astype(e.dtype), axis=1)
    neg = jnp.sum(e, axis=1)
    loss_per = -jnp.log(pos / neg + EPS)               # [N]

    pm = point_mask.astype(jnp.float32)
    loss = jnp.sum(loss_per * pm) / jnp.maximum(jnp.sum(pm), 1.0)
    return loss * WEIGHT

if __name__ == "__main__":
    import jax
    _d = setup_inputs()
    print(jax.jit(kernel)(*tuple(_d.values())))

</pallas_src>

<mosaic_0001>
#map = affine_map<(d0, d1) -> (0)>
#map1 = affine_map<(d0, d1) -> (0, 0)>
module attributes {stable_mosaic.version = 14 : i64} {
  func.func @gather_k(%arg0: i32, %arg1: i32, %arg2: memref<253952xi32, #tpu.memory_space<hbm>>, %arg3: memref<8192x128xf32, #tpu.memory_space<hbm>>, %arg4: memref<8192xi32, #tpu.memory_space<hbm>>, %arg5: memref<253952x128xf32, #tpu.memory_space<hbm>>, %arg6: memref<253952xi32, #tpu.memory_space<hbm>>, %arg7: memref<128xi32, #tpu.memory_space<vmem>>, %arg8: memref<128x128xf32, #tpu.memory_space<vmem>>, %arg9: memref<128xi32, #tpu.memory_space<vmem>>, %arg10: memref<!tpu.dma_semaphore, #tpu.memory_space<semaphore_mem>>, %arg11: memref<!tpu.dma_semaphore, #tpu.memory_space<semaphore_mem>>) attributes {dimension_semantics = [#tpu.dimension_semantics<core_parallel>, #tpu.dimension_semantics<subcore_parallel>], iteration_bounds = array<i64: 2, 16>, scalar_prefetch = 0 : i64, scratch_operands = 5 : i64, tpu.core_type = #tpu.core_type<sc_vector_subcore>, window_params = [{transform_indices = #map}, {transform_indices = #map1}, {transform_indices = #map}, {transform_indices = #map1}, {transform_indices = #map}]} {
    %mul3A = arith.constant 2 : i32
    %mul3A_0 = arith.muli %arg1, %mul3A : i32
    %add3A = arith.addi %mul3A_0, %arg0 : i32
    %mul3A_1 = arith.constant 7936 : i32
    %mul3A_2 = arith.muli %add3A, %mul3A_1 : i32
    %scan3A = arith.constant 0 : i32
    %scan3A_3 = arith.constant 0 : i32
    %scan3A_4 = arith.constant 62 : i32
    %scan3A_5 = arith.addi %scan3A_3, %scan3A_4 : i32
    %scan3A_6 = arith.constant 1 : i32
    scf.for %scan3A_8 = %scan3A_3 to %scan3A_5 step %scan3A_6  : i32 {
      %mul3A_9 = arith.constant 128 : i32
      %mul3A_10 = arith.muli %scan3A_8, %mul3A_9 : i32
      %add3A_11 = arith.addi %mul3A_2, %mul3A_10 : i32
      "tpu.region"() ({
        %run_scoped3A = tpu.sem_alloc : memref<!tpu.dma_semaphore, #tpu.memory_space<semaphore_mem>>
        %dma_start3A_20 = tpu.memref_slice %arg2[%add3A_11] : memref<253952xi32, #tpu.memory_space<hbm>> -> memref<128xi32, #tpu.memory_space<hbm>>
        %dma_start3A_21 = tpu.memref_slice %arg2[%add3A_11] : memref<253952xi32, #tpu.memory_space<hbm>> -> memref<128xi32, #tpu.memory_space<hbm>>
        tpu.enqueue_dma source(%dma_start3A_21 : memref<128xi32, #tpu.memory_space<hbm>>) target(%arg7 : memref<128xi32, #tpu.memory_space<vmem>>) target_semaphore(%run_scoped3A : memref<!tpu.dma_semaphore, #tpu.memory_space<semaphore_mem>>)
        %dma_wait3A_22 = tpu.memref_slice %arg2[%add3A_11] : memref<253952xi32, #tpu.memory_space<hbm>> -> memref<128xi32, #tpu.memory_space<hbm>>
        %dma_wait3A_23 = tpu.memref_slice %arg2[%add3A_11] : memref<253952xi32, #tpu.memory_space<hbm>> -> memref<128xi32, #tpu.memory_space<hbm>>
        tpu.wait_dma2 semaphore(%run_scoped3A : memref<!tpu.dma_semaphore, #tpu.memory_space<semaphore_mem>>) src(%dma_wait3A_23 : memref<128xi32, #tpu.memory_space<hbm>>) dst(%arg7 : memref<128xi32, #tpu.memory_space<vmem>>)
        tpu.yield
      }) : () -> ()
      %dma_start3A = arith.constant 0 : i32
      %dma_start3A_12 = arith.constant 0 : i32
      %dma_start3A_13 = tpu.memref_slice %arg3[%dma_start3A, %dma_start3A_12] : memref<8192x128xf32, #tpu.memory_space<hbm>> -> memref<8192x128xf32, #tpu.memory_space<hbm>>
      tpu.enqueue_indirect_dma source(%dma_start3A_13 : memref<8192x128xf32, #tpu.memory_space<hbm>>) target(%arg8 : memref<128x128xf32, #tpu.memory_space<vmem>>) offsets(%arg7 : memref<128xi32, #tpu.memory_space<vmem>>) semaphore(%arg10 : memref<!tpu.dma_semaphore, #tpu.memory_space<semaphore_mem>>)
      %dma_start3A_14 = arith.constant 0 : i32
      %dma_start3A_15 = tpu.memref_slice %arg4[%dma_start3A_14] : memref<8192xi32, #tpu.memory_space<hbm>> -> memref<8192xi32, #tpu.memory_space<hbm>>
      tpu.enqueue_indirect_dma source(%dma_start3A_15 : memref<8192xi32, #tpu.memory_space<hbm>>) target(%arg9 : memref<128xi32, #tpu.memory_space<vmem>>) offsets(%arg7 : memref<128xi32, #tpu.memory_space<vmem>>) semaphore(%arg11 : memref<!tpu.dma_semaphore, #tpu.memory_space<semaphore_mem>>)
      %dma_wait3A = arith.constant 0 : i32
      %dma_wait3A_16 = tpu.memref_slice %arg4[%dma_wait3A] : memref<8192xi32, #tpu.memory_space<hbm>> -> memref<8192xi32, #tpu.memory_space<hbm>>
      tpu.wait_indirect_dma semaphore(%arg11 : memref<!tpu.dma_semaphore, #tpu.memory_space<semaphore_mem>>) src(%dma_wait3A_16 : memref<8192xi32, #tpu.memory_space<hbm>>) dst(%arg9 : memref<128xi32, #tpu.memory_space<vmem>>)
      "tpu.region"() ({
        %run_scoped3A = tpu.sem_alloc : memref<!tpu.dma_semaphore, #tpu.memory_space<semaphore_mem>>
        %dma_start3A_20 = tpu.memref_slice %arg6[%add3A_11] : memref<253952xi32, #tpu.memory_space<hbm>> -> memref<128xi32, #tpu.memory_space<hbm>>
        %dma_start3A_21 = tpu.memref_slice %arg6[%add3A_11] : memref<253952xi32, #tpu.memory_space<hbm>> -> memref<128xi32, #tpu.memory_space<hbm>>
        tpu.enqueue_dma source(%arg9 : memref<128xi32, #tpu.memory_space<vmem>>) target(%dma_start3A_21 : memref<128xi32, #tpu.memory_space<hbm>>) target_semaphore(%run_scoped3A : memref<!tpu.dma_semaphore, #tpu.memory_space<semaphore_mem>>)
        %dma_wait3A_22 = tpu.memref_slice %arg6[%add3A_11] : memref<253952xi32, #tpu.memory_space<hbm>> -> memref<128xi32, #tpu.memory_space<hbm>>
        %dma_wait3A_23 = tpu.memref_slice %arg6[%add3A_11] : memref<253952xi32, #tpu.memory_space<hbm>> -> memref<128xi32, #tpu.memory_space<hbm>>
        tpu.wait_dma2 semaphore(%run_scoped3A : memref<!tpu.dma_semaphore, #tpu.memory_space<semaphore_mem>>) src(%arg9 : memref<128xi32, #tpu.memory_space<vmem>>) dst(%dma_wait3A_23 : memref<128xi32, #tpu.memory_space<hbm>>)
        tpu.yield
      }) : () -> ()
      %dma_wait3A_17 = arith.constant 0 : i32
      %dma_wait3A_18 = arith.constant 0 : i32
      %dma_wait3A_19 = tpu.memref_slice %arg3[%dma_wait3A_17, %dma_wait3A_18] : memref<8192x128xf32, #tpu.memory_space<hbm>> -> memref<8192x128xf32, #tpu.memory_space<hbm>>
      tpu.wait_indirect_dma semaphore(%arg10 : memref<!tpu.dma_semaphore, #tpu.memory_space<semaphore_mem>>) src(%dma_wait3A_19 : memref<8192x128xf32, #tpu.memory_space<hbm>>) dst(%arg8 : memref<128x128xf32, #tpu.memory_space<vmem>>)
      "tpu.region"() ({
        %run_scoped3A = tpu.sem_alloc : memref<!tpu.dma_semaphore, #tpu.memory_space<semaphore_mem>>
        %dma_start3A_20 = arith.constant 0 : i32
        %dma_start3A_21 = tpu.memref_slice %arg5[%add3A_11, %dma_start3A_20] : memref<253952x128xf32, #tpu.memory_space<hbm>> -> memref<128x128xf32, #tpu.memory_space<hbm>>
        %dma_start3A_22 = arith.constant 0 : i32
        %dma_start3A_23 = tpu.memref_slice %arg5[%add3A_11, %dma_start3A_22] : memref<253952x128xf32, #tpu.memory_space<hbm>> -> memref<128x128xf32, #tpu.memory_space<hbm>>
        tpu.enqueue_dma source(%arg8 : memref<128x128xf32, #tpu.memory_space<vmem>>) target(%dma_start3A_23 : memref<128x128xf32, #tpu.memory_space<hbm>>) target_semaphore(%run_scoped3A : memref<!tpu.dma_semaphore, #tpu.memory_space<semaphore_mem>>)
        %dma_wait3A_24 = arith.constant 0 : i32
        %dma_wait3A_25 = tpu.memref_slice %arg5[%add3A_11, %dma_wait3A_24] : memref<253952x128xf32, #tpu.memory_space<hbm>> -> memref<128x128xf32, #tpu.memory_space<hbm>>
        %dma_wait3A_26 = arith.constant 0 : i32
        %dma_wait3A_27 = tpu.memref_slice %arg5[%add3A_11, %dma_wait3A_26] : memref<253952x128xf32, #tpu.memory_space<hbm>> -> memref<128x128xf32, #tpu.memory_space<hbm>>
        tpu.wait_dma2 semaphore(%run_scoped3A : memref<!tpu.dma_semaphore, #tpu.memory_space<semaphore_mem>>) src(%arg8 : memref<128x128xf32, #tpu.memory_space<vmem>>) dst(%dma_wait3A_27 : memref<128x128xf32, #tpu.memory_space<hbm>>)
        tpu.yield
      }) : () -> ()
    }
    %scan3A_7 = arith.constant 62 : i32
    return
  }
}

module attributes {stable_mosaic.version = 14 : i64} {
  func.func @_topk_body(%arg0: i32, %arg1: memref<256x4xbf16, #tpu.memory_space<vmem>>, %arg2: memref<256x1xf32, #tpu.memory_space<vmem>>, %arg3: memref<16x8192xbf16, #tpu.memory_space<vmem>>, %arg4: memref<8x8192xf32, #tpu.memory_space<vmem>>, %arg5: memref<256x32xi32, #tpu.memory_space<vmem>>) attributes {dimension_semantics = [#tpu.dimension_semantics<arbitrary>], iteration_bounds = array<i64: 32>, scalar_prefetch = 0 : i64, scratch_operands = 0 : i64, tpu.core_type = #tpu.core_type<tc>, window_params = [{transform_indices = @transform_0, window_bounds = array<i64: 256, 4>}, {transform_indices = @transform_1, window_bounds = array<i64: 256, 1>}, {pipeline_mode = #tpu.pipeline_mode<synchronous>, transform_indices = @transform_2, window_bounds = array<i64: 16, 8192>}, {pipeline_mode = #tpu.pipeline_mode<synchronous>, transform_indices = @transform_3, window_bounds = array<i64: 8, 8192>}, {transform_indices = @transform_4, window_bounds = array<i64: 256, 32>}]} {
    %get3A = arith.constant 0 : index
    %get3A_0 = arith.constant 0 : index
    %get3A_1 = vector.load %arg1[%get3A, %get3A_0] : memref<256x4xbf16, #tpu.memory_space<vmem>>, vector<256x1xbf16>
    %convert_element_type3A = arith.extf %get3A_1 : vector<256x1xbf16> to vector<256x1xf32>
    %get3A_2 = arith.constant 0 : index
    %get3A_3 = arith.constant 1 : index
    %get3A_4 = vector.load %arg1[%get3A_2, %get3A_3] : memref<256x4xbf16, #tpu.memory_space<vmem>>, vector<256x1xbf16>
    %convert_element_type3A_5 = arith.extf %get3A_4 : vector<256x1xbf16> to vector<256x1xf32>
    %get3A_6 = arith.constant 0 : index
    %get3A_7 = arith.constant 2 : index
    %get3A_8 = vector.load %arg1[%get3A_6, %get3A_7] : memref<256x4xbf16, #tpu.memory_space<vmem>>, vector<256x1xbf16>
    %convert_element_type3A_9 = arith.extf %get3A_8 : vector<256x1xbf16> to vector<256x1xf32>
    %get3A_10 = arith.constant 0 : index
    %get3A_11 = arith.constant 0 : index
    %get3A_12 = vector.load %arg2[%get3A_10, %get3A_11] : memref<256x1xf32, #tpu.memory_space<vmem>>, vector<256x1xf32>
    %get3A_13 = arith.constant 0 : index
    %get3A_14 = arith.constant 0 : index
    %get3A_15 = vector.load %arg3[%get3A_13, %get3A_14] : memref<16x8192xbf16, #tpu.memory_space<vmem>>, vector<1x8192xbf16>
    %convert_element_type3A_16 = arith.extf %get3A_15 : vector<1x8192xbf16> to vector<1x8192xf32>
    %get3A_17 = arith.constant 1 : index
    %get3A_18 = arith.constant 0 : index
    %get3A_19 = vector.load %arg3[%get3A_17, %get3A_18] : memref<16x8192xbf16, #tpu.memory_space<vmem>>, vector<1x8192xbf16>
    %convert_element_type3A_20 = arith.extf %get3A_19 : vector<1x8192xbf16> to vector<1x8192xf32>
    %get3A_21 = arith.constant 2 : index
    %get3A_22 = arith.constant 0 : index
    %get3A_23 = vector.load %arg3[%get3A_21, %get3A_22] : memref<16x8192xbf16, #tpu.memory_space<vmem>>, vector<1x8192xbf16>
    %convert_element_type3A_24 = arith.extf %get3A_23 : vector<1x8192xbf16> to vector<1x8192xf32>
    %get3A_25 = arith.constant 0 : index
    %get3A_26 = arith.constant 0 : index
    %get3A_27 = vector.load %arg4[%get3A_25, %get3A_26] : memref<8x8192xf32, #tpu.memory_space<vmem>>, vector<1x8192xf32>
    %mul3A = vector.broadcast %convert_element_type3A : vector<256x1xf32> to vector<256x8192xf32>
    %mul3A_28 = vector.broadcast %convert_element_type3A_16 : vector<1x8192xf32> to vector<256x8192xf32>
    %mul3A_29 = arith.mulf %mul3A, %mul3A_28 : vector<256x8192xf32>
    %mul3A_30 = vector.broadcast %convert_element_type3A_5 : vector<256x1xf32> to vector<256x8192xf32>
    %mul3A_31 = vector.broadcast %convert_element_type3A_20 : vector<1x8192xf32> to vector<256x8192xf32>
    %mul3A_32 = arith.mulf %mul3A_30, %mul3A_31 : vector<256x8192xf32>
    %add3A = arith.addf %mul3A_29, %mul3A_32 : vector<256x8192xf32>
    %mul3A_33 = vector.broadcast %convert_element_type3A_9 : vector<256x1xf32> to vector<256x8192xf32>
    %mul3A_34 = vector.broadcast %convert_element_type3A_24 : vector<1x8192xf32> to vector<256x8192xf32>
    %mul3A_35 = arith.mulf %mul3A_33, %mul3A_34 : vector<256x8192xf32>
    %add3A_36 = arith.addf %add3A, %mul3A_35 : vector<256x8192xf32>
    %add3A_37 = vector.broadcast %get3A_12 : vector<256x1xf32> to vector<256x8192xf32>
    %add3A_38 = vector.broadcast %get3A_27 : vector<1x8192xf32> to vector<256x8192xf32>
    %add3A_39 = arith.addf %add3A_37, %add3A_38 : vector<256x8192xf32>
    %mul3A_40 = arith.constant 2.000000e+00 : f32
    %mul3A_41 = vector.broadcast %mul3A_40 : f32 to vector<256x8192xf32>
    %mul3A_42 = arith.mulf %mul3A_41, %add3A_36 : vector<256x8192xf32>
    %sub3A = arith.subf %add3A_39, %mul3A_42 : vector<256x8192xf32>
    %iota3A = tpu.iota {dimensions = array<i32: 1>} : vector<256x8192xi32>
    %iota3A_43 = tpu.iota {dimensions = array<i32: 1>} : vector<256x32xi32>
    %broadcast_in_dim3A = arith.constant 0 : i32
    %broadcast_in_dim3A_44 = vector.broadcast %broadcast_in_dim3A : i32 to vector<256x32xi32>
    %scan3A = arith.constant 0x7F800000 : f32
    %scan3A_45 = arith.constant 0 : i32
    %scan3A_46 = arith.constant 32 : i32
    %scan3A_47 = arith.addi %scan3A_45, %scan3A_46 : i32
    %scan3A_48 = arith.constant 1 : i32
    %scan3A_49:2 = scf.for %scan3A_53 = %scan3A_45 to %scan3A_47 step %scan3A_48 iter_args(%scan3A_54 = %sub3A, %scan3A_55 = %broadcast_in_dim3A_44) -> (vector<256x8192xf32>, vector<256x32xi32>)  : i32 {
      %argmin3A = tpu.reduce_index %scan3A_54 {axis = 1 : i32, kind = #tpu.reduction_kind<arg_min>} : vector<256x8192xf32> -> vector<256xi32>
      %broadcast_in_dim3A_56 = vector.shape_cast %argmin3A : vector<256xi32> to vector<256x1xi32>
      %eq3A = vector.broadcast %scan3A_53 : i32 to vector<256x32xi32>
      %eq3A_57 = arith.cmpi eq, %iota3A_43, %eq3A : vector<256x32xi32>
      %broadcast_in_dim3A_58 = vector.shape_cast %broadcast_in_dim3A_56 : vector<256x1xi32> to vector<256x1xi32>
      %broadcast_in_dim3A_59 = vector.broadcast %broadcast_in_dim3A_58 : vector<256x1xi32> to vector<256x32xi32>
      %select_n3A = arith.select %eq3A_57, %broadcast_in_dim3A_59, %scan3A_55 : vector<256x32xi1>, vector<256x32xi32>
      %eq3A_60 = vector.broadcast %broadcast_in_dim3A_56 : vector<256x1xi32> to vector<256x8192xi32>
      %eq3A_61 = arith.cmpi eq, %iota3A, %eq3A_60 : vector<256x8192xi32>
      %broadcast_in_dim3A_62 = vector.broadcast %scan3A : f32 to vector<256x8192xf32>
      %select_n3A_63 = arith.select %eq3A_61, %broadcast_in_dim3A_62, %scan3A_54 : vector<256x8192xi1>, vector<256x8192xf32>
      scf.yield %select_n3A_63, %select_n3A : vector<256x8192xf32>, vector<256x32xi32>
    }
    %scan3A_50 = arith.constant 32 : i32
    %swap3A = arith.constant 0 : index
    %swap3A_51 = arith.constant 0 : index
    %swap3A_52 = vector.load %arg5[%swap3A, %swap3A_51] : memref<256x32xi32, #tpu.memory_space<vmem>>, vector<256x32xi32>
    tpu.vector_store %arg5[%swap3A, %swap3A_51], %scan3A_49#1 {strides = array<i32>} : memref<256x32xi32, #tpu.memory_space<vmem>>, vector<256x32xi32>,
    return
  }
  func.func @transform_0(%arg0: i32) -> (i32, i32) {
    %c0_i32 = arith.constant 0 : i32
    %c0_i32_0 = arith.constant 0 : i32
    return %arg0, %c0_i32 : i32, i32
  }
  func.func @transform_1(%arg0: i32) -> (i32, i32) {
    %c0_i32 = arith.constant 0 : i32
    %c0_i32_0 = arith.constant 0 : i32
    return %arg0, %c0_i32 : i32, i32
  }
  func.func @transform_2(%arg0: i32) -> (i32, i32) {
    %c0_i32 = arith.constant 0 : i32
    %c0_i32_0 = arith.constant 0 : i32
    %c0_i32_1 = arith.constant 0 : i32
    return %c0_i32, %c0_i32_0 : i32, i32
  }
  func.func @transform_3(%arg0: i32) -> (i32, i32) {
    %c0_i32 = arith.constant 0 : i32
    %c0_i32_0 = arith.constant 0 : i32
    %c0_i32_1 = arith.constant 0 : i32
    return %c0_i32, %c0_i32_0 : i32, i32
  }
  func.func @transform_4(%arg0: i32) -> (i32, i32) {
    %c0_i32 = arith.constant 0 : i32
    %c0_i32_0 = arith.constant 0 : i32
    return %arg0, %c0_i32 : i32, i32
  }
}

module attributes {stable_mosaic.version = 14 : i64} {
  func.func @_combine_body(%arg0: i32, %arg1: memref<256x128xf32, #tpu.memory_space<vmem>>, %arg2: memref<256x31x128xf32, #tpu.memory_space<vmem>>, %arg3: memref<256x31xi32, #tpu.memory_space<vmem>>, %arg4: memref<256x1xi32, #tpu.memory_space<vmem>>, %arg5: memref<1x1xf32, #tpu.memory_space<vmem>>, %arg6: memref<1x1xf32, #tpu.memory_space<vmem>>) attributes {dimension_semantics = [#tpu.dimension_semantics<arbitrary>], iteration_bounds = array<i64: 32>, scalar_prefetch = 0 : i64, scratch_operands = 0 : i64, tpu.core_type = #tpu.core_type<tc>, window_params = [{transform_indices = @transform_0, window_bounds = array<i64: 256, 128>}, {transform_indices = @transform_1, window_bounds = array<i64: 256, 31, 128>}, {transform_indices = @transform_2, window_bounds = array<i64: 256, 31>}, {transform_indices = @transform_3, window_bounds = array<i64: 256, 1>}, {pipeline_mode = #tpu.pipeline_mode<synchronous>, transform_indices = @transform_4, window_bounds = array<i64: 1, 1>}, {pipeline_mode = #tpu.pipeline_mode<synchronous>, transform_indices = @transform_5, window_bounds = array<i64: 1, 1>}]} {
    %get3A = arith.constant 0 : index
    %get3A_0 = arith.constant 0 : index
    %get3A_1 = vector.load %arg1[%get3A, %get3A_0] : memref<256x128xf32, #tpu.memory_space<vmem>>, vector<256x128xf32>
    %get3A_2 = arith.constant 0 : index
    %get3A_3 = arith.constant 0 : index
    %get3A_4 = arith.constant 0 : index
    %get3A_5 = vector.load %arg2[%get3A_2, %get3A_3, %get3A_4] : memref<256x31x128xf32, #tpu.memory_space<vmem>>, vector<256x31x128xf32>
    %broadcast_in_dim3A = vector.shape_cast %get3A_1 : vector<256x128xf32> to vector<256x1x128xf32>
    %sub3A = vector.broadcast %broadcast_in_dim3A : vector<256x1x128xf32> to vector<256x31x128xf32>
    %sub3A_6 = arith.subf %sub3A, %get3A_5 : vector<256x31x128xf32>
    %mul3A = arith.mulf %sub3A_6, %sub3A_6 : vector<256x31x128xf32>
    %reduce_sum3A = arith.constant dense<0.000000e+00> : vector<256x31xf32>
    %reduce_sum3A_7 = vector.multi_reduction <add>, %mul3A, %reduce_sum3A [2] : vector<256x31x128xf32> to vector<256x31xf32>
    %get3A_8 = arith.constant 0 : index
    %get3A_9 = arith.constant 0 : index
    %get3A_10 = vector.load %arg3[%get3A_8, %get3A_9] : memref<256x31xi32, #tpu.memory_space<vmem>>, vector<256x31xi32>
    %get3A_11 = arith.constant 0 : index
    %get3A_12 = arith.constant 0 : index
    %get3A_13 = vector.load %arg4[%get3A_11, %get3A_12] : memref<256x1xi32, #tpu.memory_space<vmem>>, vector<256x1xi32>
    %eq3A = vector.broadcast %get3A_13 : vector<256x1xi32> to vector<256x31xi32>
    %eq3A_14 = arith.cmpi eq, %get3A_10, %eq3A : vector<256x31xi32>
    %convert_element_type3A = arith.extui %eq3A_14 : vector<256x31xi1> to vector<256x31xi32>
    %convert_element_type3A_15 = arith.sitofp %convert_element_type3A : vector<256x31xi32> to vector<256x31xf32>
    %reduce_sum3A_16 = arith.constant dense<0.000000e+00> : vector<256xf32>
    %reduce_sum3A_17 = vector.multi_reduction <add>, %convert_element_type3A_15, %reduce_sum3A_16 [1] : vector<256x31xf32> to vector<256xf32>
    %broadcast_in_dim3A_18 = vector.shape_cast %reduce_sum3A_17 : vector<256xf32> to vector<256x1xf32>
    %gt3A = arith.constant 0.000000e+00 : f32
    %gt3A_19 = vector.broadcast %gt3A : f32 to vector<256x1xf32>
    %gt3A_20 = arith.cmpf ogt, %broadcast_in_dim3A_18, %gt3A_19 : vector<256x1xf32>
    %lt3A = arith.constant 3.100000e+01 : f32
    %lt3A_21 = vector.broadcast %lt3A : f32 to vector<256x1xf32>
    %lt3A_22 = arith.cmpf olt, %broadcast_in_dim3A_18, %lt3A_21 : vector<256x1xf32>
    %and3A = arith.andi %gt3A_20, %lt3A_22 : vector<256x1xi1>
    %convert_element_type3A_23 = arith.extui %and3A : vector<256x1xi1> to vector<256x1xi32>
    %convert_element_type3A_24 = arith.sitofp %convert_element_type3A_23 : vector<256x1xi32> to vector<256x1xf32>
    %sqrt3A = math.sqrt %reduce_sum3A_7 : vector<256x31xf32>
    %add3A = arith.constant 1.000000e-07 : f32
    %add3A_25 = vector.broadcast %add3A : f32 to vector<256x31xf32>
    %add3A_26 = arith.addf %sqrt3A, %add3A_25 : vector<256x31xf32>
    %neg3A = arith.constant 0.000000e+00 : f32
    %neg3A_27 = vector.broadcast %neg3A : f32 to vector<256x31xf32>
    %neg3A_28 = arith.subf %neg3A_27, %add3A_26 : vector<256x31xf32>
    %reduce_max3A = arith.constant dense<0xFF800000> : vector<256xf32>
    %reduce_max3A_29 = vector.multi_reduction <maximumf>, %neg3A_28, %reduce_max3A [1] : vector<256x31xf32> to vector<256xf32>
    %broadcast_in_dim3A_30 = vector.shape_cast %reduce_max3A_29 : vector<256xf32> to vector<256x1xf32>
    %sub3A_31 = vector.broadcast %broadcast_in_dim3A_30 : vector<256x1xf32> to vector<256x31xf32>
    %sub3A_32 = arith.subf %neg3A_28, %sub3A_31 : vector<256x31xf32>
    %div3A = arith.constant 7.000000e-02 : f32
    %div3A_33 = vector.broadcast %div3A : f32 to vector<256x31xf32>
    %div3A_34 = arith.divf %sub3A_32, %div3A_33 : vector<256x31xf32>
    %exp3A = math.exp %div3A_34 : vector<256x31xf32>
    %mul3A_35 = arith.mulf %exp3A, %convert_element_type3A_15 : vector<256x31xf32>
    %reduce_sum3A_36 = arith.constant dense<0.000000e+00> : vector<256xf32>
    %reduce_sum3A_37 = vector.multi_reduction <add>, %mul3A_35, %reduce_sum3A_36 [1] : vector<256x31xf32> to vector<256xf32>
    %broadcast_in_dim3A_38 = vector.shape_cast %reduce_sum3A_37 : vector<256xf32> to vector<256x1xf32>
    %reduce_sum3A_39 = arith.constant dense<0.000000e+00> : vector<256xf32>
    %reduce_sum3A_40 = vector.multi_reduction <add>, %exp3A, %reduce_sum3A_39 [1] : vector<256x31xf32> to vector<256xf32>
    %broadcast_in_dim3A_41 = vector.shape_cast %reduce_sum3A_40 : vector<256xf32> to vector<256x1xf32>
    %div3A_42 = arith.divf %broadcast_in_dim3A_38, %broadcast_in_dim3A_41 : vector<256x1xf32>
    %add3A_43 = arith.constant 1.000000e-07 : f32
    %add3A_44 = vector.broadcast %add3A_43 : f32 to vector<256x1xf32>
    %add3A_45 = arith.addf %div3A_42, %add3A_44 : vector<256x1xf32>
    %log3A = math.log %add3A_45 : vector<256x1xf32>
    %neg3A_46 = arith.constant 0.000000e+00 : f32
    %neg3A_47 = vector.broadcast %neg3A_46 : f32 to vector<256x1xf32>
    %neg3A_48 = arith.subf %neg3A_47, %log3A : vector<256x1xf32>
    %mul3A_49 = arith.mulf %neg3A_48, %convert_element_type3A_24 : vector<256x1xf32>
    %reduce_sum3A_50 = vector.shape_cast %mul3A_49 : vector<256x1xf32> to vector<1x256x1xf32>
    %reduce_sum3A_51 = arith.constant dense<0.000000e+00> : vector<1xf32>
    %reduce_sum3A_52 = vector.multi_reduction <add>, %reduce_sum3A_50, %reduce_sum3A_51 [1, 2] : vector<1x256x1xf32> to vector<1xf32>
    %reduce_sum3A_53 = vector.shape_cast %reduce_sum3A_52 : vector<1xf32> to vector<1x1x1xf32>
    %reduce_sum3A_54 = vector.extract %reduce_sum3A_53[0, 0, 0] : f32 from vector<1x1x1xf32>
    %broadcast_in_dim3A_55 = vector.broadcast %reduce_sum3A_54 : f32 to vector<1x1xf32>
    %reduce_sum3A_56 = vector.shape_cast %convert_element_type3A_24 : vector<256x1xf32> to vector<1x256x1xf32>
    %reduce_sum3A_57 = arith.constant dense<0.000000e+00> : vector<1xf32>
    %reduce_sum3A_58 = vector.multi_reduction <add>, %reduce_sum3A_56, %reduce_sum3A_57 [1, 2] : vector<1x256x1xf32> to vector<1xf32>
    %reduce_sum3A_59 = vector.shape_cast %reduce_sum3A_58 : vector<1xf32> to vector<1x1x1xf32>
    %reduce_sum3A_60 = vector.extract %reduce_sum3A_59[0, 0, 0] : f32 from vector<1x1x1xf32>
    %broadcast_in_dim3A_61 = vector.broadcast %reduce_sum3A_60 : f32 to vector<1x1xf32>
    %eq3A_62 = arith.constant 0 : i32
    %eq3A_63 = arith.cmpi eq, %arg0, %eq3A_62 : i32
    %convert_element_type3A_64 = arith.extui %eq3A_63 : i1 to i32
    %cond3A = arith.constant 0 : i32
    %cond3A_65 = arith.cmpi ne, %convert_element_type3A_64, %cond3A : i32
    scf.if %cond3A_65 {
      %broadcast_in_dim3A_79 = arith.constant 0.000000e+00 : f32
      %broadcast_in_dim3A_80 = vector.broadcast %broadcast_in_dim3A_79 : f32 to vector<1x1xf32>
      %swap3A_81 = arith.constant 0 : index
      %swap3A_82 = arith.constant 0 : index
      %swap3A_83 = vector.load %arg5[%swap3A_81, %swap3A_82] : memref<1x1xf32, #tpu.memory_space<vmem>>, vector<1x1xf32>
      tpu.vector_store %arg5[%swap3A_81, %swap3A_82], %broadcast_in_dim3A_80 {strides = array<i32>} : memref<1x1xf32, #tpu.memory_space<vmem>>, vector<1x1xf32>,
      %broadcast_in_dim3A_84 = arith.constant 0.000000e+00 : f32
      %broadcast_in_dim3A_85 = vector.broadcast %broadcast_in_dim3A_84 : f32 to vector<1x1xf32>
      %swap3A_86 = arith.constant 0 : index
      %swap3A_87 = arith.constant 0 : index
      %swap3A_88 = vector.load %arg6[%swap3A_86, %swap3A_87] : memref<1x1xf32, #tpu.memory_space<vmem>>, vector<1x1xf32>
      tpu.vector_store %arg6[%swap3A_86, %swap3A_87], %broadcast_in_dim3A_85 {strides = array<i32>} : memref<1x1xf32, #tpu.memory_space<vmem>>, vector<1x1xf32>,
    } else {
    }
    %get3A_66 = arith.constant 0 : index
    %get3A_67 = arith.constant 0 : index
    %get3A_68 = vector.load %arg5[%get3A_66, %get3A_67] : memref<1x1xf32, #tpu.memory_space<vmem>>, vector<1x1xf32>
    %add3A_69 = arith.addf %get3A_68, %broadcast_in_dim3A_55 : vector<1x1xf32>
    %swap3A = arith.constant 0 : index
    %swap3A_70 = arith.constant 0 : index
    %swap3A_71 = vector.load %arg5[%swap3A, %swap3A_70] : memref<1x1xf32, #tpu.memory_space<vmem>>, vector<1x1xf32>
    tpu.vector_store %arg5[%swap3A, %swap3A_70], %add3A_69 {strides = array<i32>} : memref<1x1xf32, #tpu.memory_space<vmem>>, vector<1x1xf32>,
    %get3A_72 = arith.constant 0 : index
    %get3A_73 = arith.constant 0 : index
    %get3A_74 = vector.load %arg6[%get3A_72, %get3A_73] : memref<1x1xf32, #tpu.memory_space<vmem>>, vector<1x1xf32>
    %add3A_75 = arith.addf %get3A_74, %broadcast_in_dim3A_61 : vector<1x1xf32>
    %swap3A_76 = arith.constant 0 : index
    %swap3A_77 = arith.constant 0 : index
    %swap3A_78 = vector.load %arg6[%swap3A_76, %swap3A_77] : memref<1x1xf32, #tpu.memory_space<vmem>>, vector<1x1xf32>
    tpu.vector_store %arg6[%swap3A_76, %swap3A_77], %add3A_75 {strides = array<i32>} : memref<1x1xf32, #tpu.memory_space<vmem>>, vector<1x1xf32>,
    return
  }
  func.func @transform_0(%arg0: i32) -> (i32, i32) {
    %c0_i32 = arith.constant 0 : i32
    %c0_i32_0 = arith.constant 0 : i32
    return %arg0, %c0_i32 : i32, i32
  }
  func.func @transform_1(%arg0: i32) -> (i32, i32, i32) {
    %c0_i32 = arith.constant 0 : i32
    %c0_i32_0 = arith.constant 0 : i32
    %c0_i32_1 = arith.constant 0 : i32
    return %arg0, %c0_i32, %c0_i32_0 : i32, i32, i32
  }
  func.func @transform_2(%arg0: i32) -> (i32, i32) {
    %c0_i32 = arith.constant 0 : i32
    %c0_i32_0 = arith.constant 0 : i32
    return %arg0, %c0_i32 : i32, i32
  }
  func.func @transform_3(%arg0: i32) -> (i32, i32) {
    %c0_i32 = arith.constant 0 : i32
    %c0_i32_0 = arith.constant 0 : i32
    return %arg0, %c0_i32 : i32, i32
  }
  func.func @transform_4(%arg0: i32) -> (i32, i32) {
    %c0_i32 = arith.constant 0 : i32
    %c0_i32_0 = arith.constant 0 : i32
    %c0_i32_1 = arith.constant 0 : i32
    return %c0_i32, %c0_i32_0 : i32, i32
  }
  func.func @transform_5(%arg0: i32) -> (i32, i32) {
    %c0_i32 = arith.constant 0 : i32
    %c0_i32_0 = arith.constant 0 : i32
    %c0_i32_1 = arith.constant 0 : i32
    return %c0_i32, %c0_i32_0 : i32, i32
  }
}

</mosaic_0001>

<sc_bundles>
// kernel: kernel.5.cloned.1.call-start
scs
__scs_entry_jumppad:
0x0: {  	(pc) =	sbr.rel $0x88, $3  }
0x1: {  	(tag) =	ssettag $0x0;
	lr =	simm.s32 $0x1  }
0x2: {  	[smem:$0x3F9E] =	sst lr;
	_ =	strace $0xD0000000  }
0x3: {  	_ = 	snop  }
0x4: {  	_ = 	snop  }
0x5: {  	_ = 	snop  }
0x6: {  	_ = 	snop  }
0x7: {  	_ = 	snop  }
__scs_overlays_trampoline_lowered:
0x8: {  	[smem:$0x3FAD] =	sst s0  }
0x9: {  	[smem:$0x3FAE] =	sst s1  }
0xa: {  	[smem:$0x3FAF] =	sst s2  }
0xb: {  	[smem:$0x3FB0] =	sst s3  }
0xc: {  	[smem:$0x3FB1] =	sst s4  }
0xd: {  	[smem:$0x3FB2] =	sst s5  }
0xe: {  	[smem:$0x3FB3] =	sst s6  }
0xf: {  	[smem:$0x3FB4] =	sst s7  }
0x10: {  	[smem:$0x3FB5] =	sst s8  }
0x11: {  	[smem:$0x3FB6] =	sst s9;
	s0 =	simm.s32 @!p0 $0x0  }
0x12: {  	s1 =	sld [smem:$0x3F9C];
	s0 =	simm.s32 @p0 $0x1  }
0x13: {  	[smem:$0x3FB7] =	sst s0;
	s0 =	simm.s32 @!p1 $0x0  }
0x14: {  	s2 =	sld [smem:$0x3F9B];
	s0 =	simm.s32 @p1 $0x1  }
0x15: {  	[smem:$0x3FB8] =	sst s0;
	s0 =	simm.s32 @!p2 $0x0  }
0x16: {  	s3 =	sld [smem:$0x3FDB];
	s0 =	simm.s32 @p2 $0x1  }
0x17: {  	s4 =	simm.s32 $0x1BF5;
	[smem:$0x3FBA] =	sst s0  }
0x18: {  	s0 =	sld [smem:$0x3F9D];
	_ =	swait.ge [sflag:s4], $0x0  }
0x19: {  	s7 =	sld [smem:$0x3F9E]  }
0x1a: {  	s8 =	sadd.s32 $0xFFFFE003, lr  }
0x1b: {  	s9 =	sadd.s32 $0xFFFFFEF7, lr;
	s5 =	simm.s32 $0xFFFFFFFF;
	p2 =	slt.u32 s8, $0xFFFFF086  }
0x1c: {  	p1 =	slt.u32 s9, $0xF7A;
	s5 =	simm.s32 @!p2 $0x0  }
0x1d: {  	s5 =	simm.s32 @p1 $0x1;
	p0 =	seq.s32 s7, s2  }
0x1e: {  	s7 =	smul.u32 @!p0 $0xF7A, s2;
	p2 =	seq.s32 @!p0 s5, $0x0  }
0x1f: {  	s9 =	smul.u32 $0xF7A, s1;
	s8 =	simm.s32 @!p0 $0x1BF5;
	p2 =	por !p2, p0  }
0x20: {  	[sflag:s8] =	ssyncset.s32 @!p0 $0xFFFFF086;
	s6 =	sadd.s32 @!p0 s3, s7;
	s7 =	simm.s32 @!p0 $0x108  }
0x21: {  	s3 =	sadd.s32 s3, s9;
	s6 =	sadd.s32 @!p0 $0x88, s6;
	s7 =	simm.s32 @p2 $0x1082  }
0x22: {  	[simem:s7], [sflag:s8] =	dma.local @!p0 [hbm:s6], $0xF7A  }
0x23: {  	s9 =	sor.u32 $0xD0000000, s2;
	s6 =	simm.s32 $0x108;
	_ =	swait.ge @!p0 [sflag:s8], $0x0  }
0x24: {  	s3 =	sadd.s32 $0x88, s3;
	s6 =	simm.s32 @!p1 $0x1082;
	[sflag:s4] =	ssyncset.s32 $0xFFFFF086  }
0x25: {  	[simem:s6], [sflag:s4] =	dma.local [hbm:s3], $0xF7A  }
0x26: {  	[smem:$0x3F9E] =	sst s1;
	(tag) =	ssettag s2;
	_ =	strace s9  }
0x27: {  	s1 =	sld [smem:$0x3FAE]  }
0x28: {  	s2 =	sld [smem:$0x3FAF]  }
0x29: {  	s4 =	sld [smem:$0x3FB1]  }
0x2a: {  	p0 =	seq.s32 s5, $0x0;
	s5 =	sld [smem:$0x3FB2]  }
0x2b: {  	s6 =	sld [smem:$0x3FB3]  }
0x2c: {  	s7 =	sld [smem:$0x3FB4]  }
0x2d: {  	s3 =	simm.s32 $0x108;
	s8 =	sld [smem:$0x3FB5]  }
0x2e: {  	s3 =	simm.s32 @!p0 $0x1082;
	s9 =	sld [smem:$0x3FB6]  }
0x2f: {  	lr =	sadd.s32 s0, s3;
	s0 =	sld [smem:$0x3FAD]  }
0x30: {  	s3 =	sld [smem:$0x3FB0]  }
0x31: {  	[smem:$0x3FB9] =	sst s10  }
0x32: {  	s10 =	sld [smem:$0x3FB7];
	_ =	sdelay $0x3  }
0x33: {  	p0 =	seq.s32 s10, $0x1;
	s10 =	sld [smem:$0x3FB9];
	_ =	sdelay $0x3  }
0x34: {  	[smem:$0x3FB9] =	sst s10  }
0x35: {  	s10 =	sld [smem:$0x3FB8];
	_ =	sdelay $0x3  }
0x36: {  	p1 =	seq.s32 s10, $0x1;
	s10 =	sld [smem:$0x3FB9];
	_ =	sdelay $0x3  }
0x37: {  	[smem:$0x3FB9] =	sst s10  }
0x38: {  	s10 =	sld [smem:$0x3FBA]  }
0x39: {  	_ = 	snop;
	(pc) =	sbr.ind lr, $3  }
0x3a: {  	_ = 	snop  }
0x3b: {  	_ = 	snop  }
0x3c: {  	p2 =	seq.s32 s10, $0x1;
	s10 =	sld [smem:$0x3FB9]  }
0x3d: {  	_ =	shalt  }
0x3e: {  	_ =	shalt  }
0x3f: {  	_ =	shalt  }
0x40: {  	_ =	shalt  }
0x41: {  	_ =	shalt  }
0x42: {  	_ =	shalt  }
0x43: {  	_ =	shalt  }
0x44: {  	_ =	shalt  }
0x45: {  	_ =	shalt  }
0x46: {  	_ =	shalt  }
0x47: {  	_ =	shalt  }
0x48: {  	_ =	shalt  }
0x49: {  	_ =	shalt  }
0x4a: {  	_ =	shalt  }
0x4b: {  	_ =	shalt  }
0x4c: {  	_ =	shalt  }
0x4d: {  	_ =	shalt  }
0x4e: {  	_ =	shalt  }
0x4f: {  	_ =	shalt  }
0x50: {  	_ =	shalt  }
0x51: {  	_ =	shalt  }
0x52: {  	_ =	shalt  }
0x53: {  	_ =	shalt  }
0x54: {  	_ =	shalt  }
0x55: {  	_ =	shalt  }
0x56: {  	_ =	shalt  }
0x57: {  	_ =	shalt  }
0x58: {  	_ =	shalt  }
0x59: {  	_ =	shalt  }
0x5a: {  	_ =	shalt  }
0x5b: {  	_ =	shalt  }
0x5c: {  	_ =	shalt  }
0x5d: {  	_ =	shalt  }
0x5e: {  	_ =	shalt  }
0x5f: {  	_ =	shalt  }
0x60: {  	_ =	shalt  }
0x61: {  	_ =	shalt  }
0x62: {  	_ =	shalt  }
0x63: {  	_ =	shalt  }
0x64: {  	_ =	shalt  }
0x65: {  	_ =	shalt  }
0x66: {  	_ =	shalt  }
0x67: {  	_ =	shalt  }
0x68: {  	_ =	shalt  }
0x69: {  	_ =	shalt  }
0x6a: {  	_ =	shalt  }
0x6b: {  	_ =	shalt  }
0x6c: {  	_ =	shalt  }
0x6d: {  	_ =	shalt  }
0x6e: {  	_ =	shalt  }
0x6f: {  	_ =	shalt  }
0x70: {  	_ =	shalt  }
0x71: {  	_ =	shalt  }
0x72: {  	_ =	shalt  }
0x73: {  	_ =	shalt  }
0x74: {  	_ =	shalt  }
0x75: {  	_ =	shalt  }
0x76: {  	_ =	shalt  }
0x77: {  	_ =	shalt  }
0x78: {  	_ =	shalt  }
0x79: {  	_ =	shalt  }
0x7a: {  	_ =	shalt  }
0x7b: {  	_ =	shalt  }
0x7c: {  	_ =	shalt  }
0x7d: {  	_ =	shalt  }
0x7e: {  	_ =	shalt  }
0x7f: {  	_ =	shalt  }
0x80: {  	_ =	shalt  }
0x81: {  	_ =	shalt  }
0x82: {  	_ =	shalt  }
0x83: {  	_ =	shalt  }
0x84: {  	_ =	shalt  }
0x85: {  	_ =	shalt  }
0x86: {  	_ =	shalt  }
0x87: {  	_ =	shalt  }
.Lfunc_end0:
.L_simem_size_0:
called_computation_lowered:
.L_overlay_start_0:
0x88: {  	s2 =	sld [smem:$0x3FD9]  }
0x89: {  	s3 =	sld [smem:$0x3FFE];
	_ =	sdelay $0x1  }
0x8a: {  	s1 =	srdreg.scid  }
0x8b: {  	s0 =	sand.u32 $0x1, s1  }
0x8c: {  	s17 =	sshll.u32 s0, $0xA;
	s2 =	sadd.s32 s3, s2  }
0x8d: {  	s2 =	sadd.s32 s2, s17  }
0x8e: {  	[smem:$0x3FC5] =	sst s2  }
0x8f: {  	_ = 	snop  }
0x90: {  	s2 =	sld [smem:$0x3FC8]  }
0x91: {  	s18 =	sld [smem:$0x3FC7];
	(tm) =	ssettm $0x1  }
0x92: {  	s4 =	sld [smem:$0x3FFB];
	_ =	sdelay $0x3  }
0x93: {  	_ =	strace s4  }
0x94: {  	s4 =	sld [smem:$0x3FFC];
	_ =	sdelay $0x3  }
0x95: {  	_ =	strace s4  }
0x96: {  	s4 =	sld [smem:$0x3FFD];
	_ =	sdelay $0x3  }
0x97: {  	_ =	strace s4  }
0x98: {  	_ =	strace $0x8FFFFFFF  }
0x99: {  	s19 =	sld [smem:$0x3FDB];
	_ =	sdelay $0x1  }
0x9a: {  	s5 =	simm.s32 $_scs_section_size  }
0x9b: {  	s6 =	simm.s32 $_size__tile_overlayer_lowered;
	s7 =	simm.s32 $_tile_overlayer_lowered  }
0x9c: {  	s22 =	simm.s32 $0x1BFF;
	s21 =	sshll.u32 s7, $0x1;
	s4 =	sadd.s32 s5, s19  }
0x9d: {  	s8 =	simm.s32 $0x0;
	s20 =	sshll.u32 s6, $0x1;
	s6 =	sadd.s32 s21, s4  }
0x9e: {  	[timem:s8], [sflag:s22] =	dma.local [hbm:s6], s20  }
0x9f: {  	_ =	swait.ge [sflag:s22], s20  }
0xa0: {  	s5 =	ssub.s32 $0x0, s20;
	[sflag:s22] =	ssyncset.done $0x0  }
0xa1: {  	[sflag:s22] =	ssyncadd.s32 s5;
	_ =	sdelay $0x1  }
0xa2: {  	s23 =	simm.s32 $0x1B8B  }
0xa3: {  	_ =	swait.ge [sflag:s23], $0x1  }
0xa4: {  	[sflag:s23] =	ssyncset.done $0x0  }
0xa5: {  	s25 =	simm.s32 $0x1B8E;
	s24 =	sld [smem:$0x3FFE];
	[sflag:s23] =	ssyncadd.s32 $0xFFFFFFFF  }
0xa6: {  	s26 =	simm.s32 $execute0_lowered;
	[smem:$0x3FD2] =	sst s25  }
0xa7: {  	s6 =	sshll.u32 s26, $0x1;
	_ =	strace $0x80000046;
	[dreg:$0x1] =	wrdreg $0xFFFFFFFF  }
0xa8: {  	s28 =	simm.s32 $_size_execute0_lowered;
	s4 =	sadd.s32 s4, s6;
	[dreg:$0x0] =	wrdreg $0x0  }
0xa9: {  	s6 =	sshll.u32 s28, $0x1;
	[dreg:$0x2] =	wrdreg s4  }
0xaa: {  	[dreg:$0x3] =	wrdreg s6  }
0xab: {  	[dreg:$0x4] =	wrdreg $0xC0  }
0xac: {  	_ =	task [dreg:s8], $0x5FFFF  }
0xad: {  	[dreg:$0x1] =	wrdreg $0xFFFFFFFF  }
0xae: {  	[dreg:$0x0] =	wrdreg $0x60  }
0xaf: {  	[dreg:$0x2] =	wrdreg s24  }
0xb0: {  	[dreg:$0x3] =	wrdreg s2  }
0xb1: {  	[dreg:$0x4] =	wrdreg s18  }
0xb2: {  	[dreg:$0x5] =	wrdreg $0x9  }
0xb3: {  	_ =	task.clear_ibuf [dreg:s8], $0x6FFFF;
	_ =	strace $0x90000046  }
0xb4: {  	s29 =	simm.s32 $0x9;
	_ =	strace $0x80000048  }
0xb5: {  	_ =	swait.ge [sflag:s29], $0x1  }
0xb6: {  	[sflag:s29] =	ssyncadd.s32 $0xFFFFFFFF  }
0xb7: {  	_ =	strace $0x90000048  }
0xb8: {  	_ =	sfence  }
0xb9: {  	s30 =	sld [smem:$0x0];
	_ =	sdelay $0x2  }
0xba: {  	s31 =	sshll.u32 s1, $0xD;
	s1 =	sshrl.u32 s1, $0x2  }
0xbb: {  	s3 =	sand.u32 $0x4000, s31;
	s1 =	sadd.s32 s1, s30  }
0xbc: {  	s0 =	sor.u32 s3, s0;
	s1 =	sshll.u32 s1, $0x11  }
0xbd: {  	s0 =	sor.u32 s1, s0  }
0xbe: {  	s0 =	sadd.s32 $0x8F2B, s0  }
0xbf: {  	[sflag:s0] =	ssyncadd.remote.s32 $0x1  }
0xc0: {  	_ =	sfence.sel $0xFFFF  }
0xc1: {  	[dreg:$0x0] =	wrdreg $0xFFFFFFFF;
	(pc) =	sbr.abs _section_cstart, $3  }
0xc2: {  	[dreg:$0x1] =	wrdreg $0xFFFFFFFF  }
0xc3: {  	_ =	task.clear_ibuf [dreg:s8], $0x2FFFF;
	_ =	strace $0x9FFFFFFF  }
0xc4: {  	(tm) =	ssettm $0x7FFFFFFF  }
0xc5: {  	_ =	shalt  }
tec
execute0_lowered:
.L_overlay_start_1:
0x0: {  	(tag) =	ssettag $0x1  }
0x1: {  	s5 =	rddreg [dreg:$0x0]  }
0x2: {  	s2 =	rddreg [dreg:$0x1]  }
0x3: {  	s3 =	rddreg [dreg:$0x2]  }
0x4: {  	s0 =	rddreg [dreg:$0x3];
	s6 =	srdreg.scid  }
0x5: {  	s1 =	stileid.u32;
	s4 =	simm.s32 $0x0;
	s11 =	simm.s32 $0x4080  }
0x6: {  	s12 =	simm.s32 $0x2;
	s13 =	simm.s32 $0x1;
	s7 =	smul.u32 $0x3E00, s1  }
0x7: {  	s14 =	simm.s32 $0x0;
	s6 =	sand.u32 $0x1, s6;
	s9 =	smul.u32 $0x3E000, s1  }
0x8: {  	[smem:$0x7FF] =	sst s4;
	s8 =	smul.u32 $0x1F00, s6;
	s10 =	ssub.s32 $0x2, s6  }
0x9: {  	_ =	strace $0x80000047;
	s6 =	smul.u32 $0x1F000, s6;
	s30 =	sshrl.u32 s10, $0x1  }
0xa: {  	s9 =	sadd.s32 s9, s5;
	s7 =	sadd.s32 s8, s7;
	s8 =	ssub.s32 s10, s30  }
0xb: {  	s6 =	sadd.s32 s6, s9;
	s9 =	simm.s32 $0x3;
	s7 =	sshrl.u32 s7, $0x3  }
0xc: {  	s10 =	simm.s32 $0x80;
	s6 =	sadd.s32 $0x8A00, s6;
	s31 =	sadd.s32 s7, s5  }
0xd: {  	s5 =	smax.u32 s8, $0x1;
	s7 =	sadd.s32 $0x3E8A00, s31;
	s8 =	sadd.s32 $0xE00, s31  }
.LBB2_1:
0xe: {  	s15 =	sadd.s32 $0x0, s8  }
0xf: {  	[tilespmem:s4], [sflag:$0x3] =	stream.linear.gather [hbm4b:s15+s4], $0x80, $0x38;
	[tilespmem:$0x4100] =	vst v63  }
0x10: {  	_ =	swait.ge [sflag:s9], $0x80  }
0x11: {  	[sflag:s9] =	ssyncset.done $0x0  }
0x12: {  	[sflag:s9] =	ssyncadd.s32 $0xFFFFFF80  }
0x13: {  	[tilespmem:s10], [sflag:$0x1] =	stream.indirect.gather [hbm4b:s2+s10], $0x80, s4, s10, $0xb8;
	[tilespmem:$0x4100] =	vst v63  }
0x14: {  	_ = 	snop  }
0x15: {  	[tilespmem:s11], [sflag:$0x2] =	stream.indirect.gather [hbm4b:s3+s10], $0x1, s4, s10, $0xb8;
	[tilespmem:$0x4100] =	vst v63  }
0x16: {  	_ =	swait.ge [sflag:s12], $0x80  }
0x17: {  	[sflag:s12] =	ssyncset.done $0x0  }
0x18: {  	s31 =	sadd.s32 $0x0, s7;
	[sflag:s12] =	ssyncadd.s32 $0xFFFFFF80  }
0x19: {  	[hbm4b:s31+s4] =	stream.linear.scatter [tilespmem:s11], [sflag:$0x3], $0x80, $0x38;
	[tilespmem:$0x4100] =	vst v63  }
0x1a: {  	_ =	swait.ge [sflag:s9], $0x80  }
0x1b: {  	[sflag:s9] =	ssyncset.done $0x0  }
0x1c: {  	[sflag:s9] =	ssyncadd.s32 $0xFFFFFF80  }
0x1d: {  	_ =	swait.ge [sflag:s13], $0x4000  }
0x1e: {  	[sflag:s13] =	ssyncset.done $0x0  }
0x1f: {  	[sflag:s13] =	ssyncadd.s32 $0xFFFFC000  }
0x20: {  	[hbm4b:s6+s4] =	stream.linear.scatter [tilespmem:s10], [sflag:$0x3], $0x4000, $0x38;
	[tilespmem:$0x4100] =	vst v63  }
0x21: {  	s16 =	simm.s32 $0x10;
	_ =	swait.ge [sflag:s9], $0x4000  }
0x22: {  	s17 =	simm.s32 $0x20;
	s15 =	sadd.s32 $0x800, s6;
	[sflag:s9] =	ssyncset.done $0x0  }
.LBB2_2:
0x23: {  	s18 =	sadd.s32 s16, s8  }
0x24: {  	[sflag:s9] =	ssyncadd.s32 $0xFFFFC000;
	s19 =	smov.u32 s17;
	s20 =	sadd.s32 $0x10, s17  }
0x25: {  	[tilespmem:s4], [sflag:$0x3] =	stream.linear.gather [hbm4b:s18+s4], $0x80, $0x38;
	[tilespmem:$0x4100] =	vst v63  }
0x26: {  	p0 =	sne.s32 s17, $0x3D0;
	_ =	swait.ge [sflag:s9], $0x80  }
0x27: {  	[sflag:s9] =	ssyncset.done $0x0  }
0x28: {  	[sflag:s9] =	ssyncadd.s32 $0xFFFFFF80  }
0x29: {  	[tilespmem:s10], [sflag:$0x1] =	stream.indirect.gather [hbm4b:s2+s10], $0x80, s4, s10, $0xb8;
	[tilespmem:$0x4100] =	vst v63  }
0x2a: {  	_ = 	snop  }
0x2b: {  	[tilespmem:s11], [sflag:$0x2] =	stream.indirect.gather [hbm4b:s3+s10], $0x1, s4, s10, $0xb8;
	[tilespmem:$0x4100] =	vst v63  }
0x2c: {  	_ =	swait.ge [sflag:s12], $0x80  }
0x2d: {  	[sflag:s12] =	ssyncset.done $0x0  }
0x2e: {  	s17 =	sadd.s32 s16, s7;
	s16 =	smov.u32 s19;
	[sflag:s12] =	ssyncadd.s32 $0xFFFFFF80  }
0x2f: {  	[hbm4b:s17+s4] =	stream.linear.scatter [tilespmem:s11], [sflag:$0x3], $0x80, $0x38;
	[tilespmem:$0x4100] =	vst v63  }
0x30: {  	_ =	swait.ge [sflag:s9], $0x80  }
0x31: {  	[sflag:s9] =	ssyncset.done $0x0  }
0x32: {  	[sflag:s9] =	ssyncadd.s32 $0xFFFFFF80  }
0x33: {  	_ =	swait.ge [sflag:s13], $0x4000  }
.Ltmp0:
0x34: {  	[sflag:s13] =	ssyncset.done $0x0;
	(pc) =	sbr.rel @p0 .LBB2_2-.Ltmp0, $4  }
0x35: {  	[sflag:s13] =	ssyncadd.s32 $0xFFFFC000  }
0x36: {  	[hbm4b:s15+s4] =	stream.linear.scatter [tilespmem:s10], [sflag:$0x3], $0x4000, $0x38;
	[tilespmem:$0x4100] =	vst v63  }
0x37: {  	_ =	swait.ge [sflag:s9], $0x4000  }
0x38: {  	s17 =	smov.u32 s20;
	s15 =	sadd.s32 $0x800, s15;
	[sflag:s9] =	ssyncset.done $0x0  }
0x39: {  	s17 =	sadd.s32 s16, s8;
	[sflag:s9] =	ssyncadd.s32 $0xFFFFC000  }
0x3a: {  	[tilespmem:s4], [sflag:$0x3] =	stream.linear.gather [hbm4b:s17+s4], $0x80, $0x38;
	[tilespmem:$0x4100] =	vst v63  }
0x3b: {  	_ =	swait.ge [sflag:s9], $0x80  }
0x3c: {  	[sflag:s9] =	ssyncset.done $0x0  }
0x3d: {  	[sflag:s9] =	ssyncadd.s32 $0xFFFFFF80  }
0x3e: {  	[tilespmem:s10], [sflag:$0x1] =	stream.indirect.gather [hbm4b:s2+s10], $0x80, s4, s10, $0xb8;
	[tilespmem:$0x4100] =	vst v63  }
0x3f: {  	_ = 	snop  }
0x40: {  	[tilespmem:s11], [sflag:$0x2] =	stream.indirect.gather [hbm4b:s3+s10], $0x1, s4, s10, $0xb8;
	[tilespmem:$0x4100] =	vst v63  }
0x41: {  	_ =	swait.ge [sflag:s12], $0x80  }
0x42: {  	[sflag:s12] =	ssyncset.done $0x0  }
0x43: {  	s31 =	sadd.s32 s16, s7;
	[sflag:s12] =	ssyncadd.s32 $0xFFFFFF80  }
0x44: {  	[hbm4b:s31+s4] =	stream.linear.scatter [tilespmem:s11], [sflag:$0x3], $0x80, $0x38;
	[tilespmem:$0x4100] =	vst v63  }
0x45: {  	_ =	swait.ge [sflag:s9], $0x80  }
0x46: {  	[sflag:s9] =	ssyncset.done $0x0  }
0x47: {  	[sflag:s9] =	ssyncadd.s32 $0xFFFFFF80  }
0x48: {  	s14 =	sadd.s32 $0x1, s14;
	_ =	swait.ge [sflag:s13], $0x4000  }
0x49: {  	p0 =	sne.s32 s14, s5;
	[sflag:s13] =	ssyncset.done $0x0  }
.Ltmp1:
0x4a: {  	[sflag:s13] =	ssyncadd.s32 $0xFFFFC000;
	(pc) =	sbr.rel @p0 .LBB2_1-.Ltmp1, $4  }
0x4b: {  	[hbm4b:s15+s4] =	stream.linear.scatter [tilespmem:s10], [sflag:$0x3], $0x4000, $0x38;
	[tilespmem:$0x4100] =	vst v63  }
0x4c: {  	_ =	swait.ge [sflag:s9], $0x4000  }
0x4d: {  	[sflag:s9] =	ssyncset.done $0x0  }
0x4e: {  	[sflag:s9] =	ssyncadd.s32 $0xFFFFC000  }
0x4f: {  	_ =	sfence.sel $0x180000  }
0x50: {  	[bflag:$0x0] =	sbarrier.arrive $0xFFFF  }
0x51: {  	p0 =	sne.s32 s1, $0x0;
	_ =	strace $0x90000047  }
0x52: {  	s0 =	sadd.s32 @!p0 $0x100000, s0;
	[bflag:$0x2] =	sbarrier.arrive $0xFFFF  }
0x53: {  	[sflag:s0] =	ssyncadd.tile.s32 @!p0 $0x1;
	_ =	shalt  }
.Lfunc_end2:
_tile_overlayer_lowered:
.L_overlay_start_2:
0x54: {  	(tag) =	ssettag $0x2  }
0x55: {  	s0 =	rddreg [dreg:$0x0];
	s2 =	stileid.u32  }
0x56: {  	s1 =	rddreg [dreg:$0x1];
	p0 =	sne.s32 s2, $0x0  }
0x57: {  	s3 =	rddreg [dreg:$0x2];
	[bflag:$0x3] =	sbarrier.arrive $0xFFFF;
	s2 =	simm.s32 @!p0 $0x1C03  }
0x58: {  	[timem:s3], [sflag:s2] =	dma.local @!p0 [hbm:s0], s1  }
0x59: {  	s0 =	simm.s32 @!p0 $0x3  }
0x5a: {  	_ =	swait.ge @!p0 [sflag:s0], s1  }
0x5b: {  	s1 =	ssub.s32 @!p0 $0x0, s1;
	[sflag:s0] =	ssyncset.done @!p0 $0x0  }
0x5c: {  	[sflag:s0] =	ssyncadd.s32 @!p0 s1  }
0x5d: {  	[bflag:$0x3] =	sbarrier.arrive $0xFFFF  }
0x5e: {  	_ =	shalt  }

</sc_bundles>
